<compile_context>
chip_gen: v7x
topology: tpu7x:2x2x1
jax: 0.10.2.dev20260603
libtpu: 0.0.44.dev20260713+nightly
codegen_flags: <defaults>
</compile_context>

<pallas_src>
import functools

import jax
import jax.numpy as jnp
from jax import lax
from jax.experimental import pallas as pl
from jax.experimental.pallas import tpu as pltpu
from jax.experimental.pallas import tpu_sc as plsc

_D = 128
_B = 1024
_P = 50
_PB = _P * 2
_R = _B * _PB
_NC, _NS = 2, 16
_NW = _NC * _NS
_BW = _B // _NW
_NPAIR = _BW // 2

_mesh = plsc.VectorSubcoreMesh(core_axis_name="c", subcore_axis_name="s")


@functools.partial(
    pl.kernel,
    out_type=jax.ShapeDtypeStruct((_R, _D), jnp.float32),
    mesh=_mesh,
    scratch_types=[
        pltpu.VMEM((_BW, _PB), jnp.int32),
        pltpu.VMEM((4, 2 * _PB, _D), jnp.float32),
        pltpu.SemaphoreType.DMA,
        pltpu.SemaphoreType.DMA,
    ],
)
def _gather(table_hbm, idx_hbm, out_hbm, idx_v, rows_v, gsem, osem):
    wid = lax.axis_index("s") * _NC + lax.axis_index("c")
    b0 = wid * _BW
    pltpu.sync_copy(idx_hbm.at[pl.ds(b0, _BW)], idx_v)

    def start_pair(t, buf):
        pltpu.async_copy(
            table_hbm.at[idx_v.at[2 * t]], rows_v.at[buf, pl.ds(0, _PB)], gsem
        )
        pltpu.async_copy(
            table_hbm.at[idx_v.at[2 * t + 1]],
            rows_v.at[buf, pl.ds(_PB, _PB)],
            gsem,
        )

    def wait_pair(t, buf):
        pltpu.make_async_copy(
            table_hbm.at[idx_v.at[2 * t]], rows_v.at[buf, pl.ds(0, _PB)], gsem
        ).wait()
        pltpu.make_async_copy(
            table_hbm.at[idx_v.at[2 * t + 1]],
            rows_v.at[buf, pl.ds(_PB, _PB)],
            gsem,
        ).wait()

    start_pair(0, 0)
    start_pair(1, 1)
    start_pair(2, 2)

    @pl.loop(0, _NPAIR)
    def _pair(t):
        buf = lax.rem(t, 4)
        wait_pair(t, buf)
        pltpu.async_copy(
            rows_v.at[buf], out_hbm.at[pl.ds((b0 + 2 * t) * _PB, 2 * _PB)], osem
        )

        @pl.when(t + 3 < _NPAIR)
        def _start_next():
            nbuf = lax.rem(t + 3, 4)

            @pl.when(t >= 1)
            def _reclaim():
                pltpu.make_async_copy(
                    rows_v.at[nbuf],
                    out_hbm.at[pl.ds((b0 + 2 * (t - 1)) * _PB, 2 * _PB)],
                    osem,
                ).wait()

            start_pair(t + 3, nbuf)

    for _ in range(4):
        pltpu.make_async_copy(
            rows_v.at[0], out_hbm.at[pl.ds(b0 * _PB, 2 * _PB)], osem
        ).wait()


def kernel(table, idx):
    idx_flat = idx.reshape(_B, _PB)
    out = _gather(table, idx_flat)
    return out.reshape(_B, _P, 1, 2, _D)

# --- scband reference (transcript-rebuilt; emitter-appended) ---
"""Pipeline reference for scband-embedding-58514634441503 (READ-ONLY COPY).

The authoritative reference and input builder live on the scoring server;
editing this copy changes nothing except your own understanding.
"""

import jax, jax.numpy as jnp
import numpy as np

NUM_ENT = 100000
EMBED_DIM = 128
B = 1024
P = 50

def setup_inputs(seed: int = 0) -> dict:
    key = jax.random.key(seed)
    k1, k2 = jax.random.split(key)
    # Learned embedding table (nn.Embedding(num_ent, embed_dim), xavier-init approximated)
    table = jax.random.normal(k1, (NUM_ENT, EMBED_DIM), dtype=jnp.float32) * 0.02
    # Pre-resolved entity index pairs: idx[b, j, 0] = ent2id[h], idx[b, j, 1] = ent2id[t]
    idx = jax.random.randint(k2, (B, P, 2), 0, NUM_ENT, dtype=jnp.int32)
    return {"table": table, "idx": idx}

def reference(table, idx):
    # Faithful translation of forward with rum_embedding is None:
    #   return self.embedding(idx).unsqueeze(2)
    # torch: [B, P, 2] -> embedding -> [B, P, 2, es] -> unsqueeze(2) -> [B, P, 1, 2, es]
    emb = jnp.take(table, idx, axis=0)
    return jnp.expand_dims(emb, 2)

if __name__ == "__main__":
    import jax
    _d = setup_inputs()
    print(jax.jit(kernel)(*tuple(_d.values())))

</pallas_src>

<mosaic_0001>
#map = affine_map<(d0, d1) -> (0, 0)>
module attributes {stable_mosaic.version = 14 : i64} {
  func.func @_gather(%arg0: i32, %arg1: i32, %arg2: memref<100000x128xf32, #tpu.memory_space<hbm>>, %arg3: memref<1024x100xi32, #tpu.memory_space<hbm>>, %arg4: memref<102400x128xf32, #tpu.memory_space<hbm>>, %arg5: memref<32x100xi32, #tpu.memory_space<vmem>>, %arg6: memref<4x200x128xf32, #tpu.memory_space<vmem>>, %arg7: memref<!tpu.dma_semaphore, #tpu.memory_space<semaphore_mem>>, %arg8: memref<!tpu.dma_semaphore, #tpu.memory_space<semaphore_mem>>) attributes {dimension_semantics = [#tpu.dimension_semantics<core_parallel>, #tpu.dimension_semantics<subcore_parallel>], iteration_bounds = array<i64: 2, 16>, scalar_prefetch = 0 : i64, scratch_operands = 4 : i64, tpu.core_type = #tpu.core_type<sc_vector_subcore>, window_params = [{transform_indices = #map}, {transform_indices = #map}, {transform_indices = #map}]} {
    %mul3A = arith.constant 2 : i32
    %mul3A_0 = arith.muli %arg1, %mul3A : i32
    %add3A = arith.addi %mul3A_0, %arg0 : i32
    %mul3A_1 = arith.constant 32 : i32
    %mul3A_2 = arith.muli %add3A, %mul3A_1 : i32
    "tpu.region"() ({
      %run_scoped3A = tpu.sem_alloc : memref<!tpu.dma_semaphore, #tpu.memory_space<semaphore_mem>>
      %dma_start3A_137 = arith.constant 0 : i32
      %dma_start3A_138 = tpu.memref_slice %arg3[%mul3A_2, %dma_start3A_137] : memref<1024x100xi32, #tpu.memory_space<hbm>> -> memref<32x100xi32, #tpu.memory_space<hbm>>
      %dma_start3A_139 = arith.constant 0 : i32
      %dma_start3A_140 = tpu.memref_slice %arg3[%mul3A_2, %dma_start3A_139] : memref<1024x100xi32, #tpu.memory_space<hbm>> -> memref<32x100xi32, #tpu.memory_space<hbm>>
      tpu.enqueue_dma source(%dma_start3A_140 : memref<32x100xi32, #tpu.memory_space<hbm>>) target(%arg5 : memref<32x100xi32, #tpu.memory_space<vmem>>) target_semaphore(%run_scoped3A : memref<!tpu.dma_semaphore, #tpu.memory_space<semaphore_mem>>)
      %dma_wait3A_141 = arith.constant 0 : i32
      %dma_wait3A_142 = tpu.memref_slice %arg3[%mul3A_2, %dma_wait3A_141] : memref<1024x100xi32, #tpu.memory_space<hbm>> -> memref<32x100xi32, #tpu.memory_space<hbm>>
      %dma_wait3A_143 = arith.constant 0 : i32
      %dma_wait3A_144 = tpu.memref_slice %arg3[%mul3A_2, %dma_wait3A_143] : memref<1024x100xi32, #tpu.memory_space<hbm>> -> memref<32x100xi32, #tpu.memory_space<hbm>>
      tpu.wait_dma2 semaphore(%run_scoped3A : memref<!tpu.dma_semaphore, #tpu.memory_space<semaphore_mem>>) src(%dma_wait3A_144 : memref<32x100xi32, #tpu.memory_space<hbm>>) dst(%arg5 : memref<32x100xi32, #tpu.memory_space<vmem>>)
      tpu.yield
    }) : () -> ()
    %dma_start3A = arith.constant 0 : i32
    %dma_start3A_3 = arith.constant 0 : i32
    %dma_start3A_4 = arith.constant 0 : i32
    %dma_start3A_5 = arith.constant 0 : i32
    %dma_start3A_6 = tpu.memref_slice %arg6[%dma_start3A_3, %dma_start3A_4, %dma_start3A_5] : memref<4x200x128xf32, #tpu.memory_space<vmem>> -> memref<1x100x128xf32, #tpu.memory_space<vmem>>
    %dma_start3A_7 = tpu.memref_squeeze %dma_start3A_6 : memref<1x100x128xf32, #tpu.memory_space<vmem>> -> memref<100x128xf32, #tpu.memory_space<vmem>>
    %dma_start3A_8 = arith.constant 0 : i32
    %dma_start3A_9 = tpu.memref_slice %arg5[%dma_start3A, %dma_start3A_8] : memref<32x100xi32, #tpu.memory_space<vmem>> -> memref<1x100xi32, #tpu.memory_space<vmem>>
    %dma_start3A_10 = tpu.memref_squeeze %dma_start3A_9 : memref<1x100xi32, #tpu.memory_space<vmem>> -> memref<100xi32, #tpu.memory_space<vmem>>
    %dma_start3A_11 = arith.constant 0 : i32
    %dma_start3A_12 = arith.constant 0 : i32
    %dma_start3A_13 = tpu.memref_slice %arg2[%dma_start3A_11, %dma_start3A_12] : memref<100000x128xf32, #tpu.memory_space<hbm>> -> memref<100000x128xf32, #tpu.memory_space<hbm>>
    tpu.enqueue_indirect_dma source(%dma_start3A_13 : memref<100000x128xf32, #tpu.memory_space<hbm>>) target(%dma_start3A_7 : memref<100x128xf32, #tpu.memory_space<vmem>>) offsets(%dma_start3A_10 : memref<100xi32, #tpu.memory_space<vmem>>) semaphore(%arg7 : memref<!tpu.dma_semaphore, #tpu.memory_space<semaphore_mem>>)
    %dma_start3A_14 = arith.constant 1 : i32
    %dma_start3A_15 = arith.constant 0 : i32
    %dma_start3A_16 = arith.constant 100 : i32
    %dma_start3A_17 = arith.constant 0 : i32
    %dma_start3A_18 = tpu.memref_slice %arg6[%dma_start3A_15, %dma_start3A_16, %dma_start3A_17] : memref<4x200x128xf32, #tpu.memory_space<vmem>> -> memref<1x100x128xf32, #tpu.memory_space<vmem>>
    %dma_start3A_19 = tpu.memref_squeeze %dma_start3A_18 : memref<1x100x128xf32, #tpu.memory_space<vmem>> -> memref<100x128xf32, #tpu.memory_space<vmem>>
    %dma_start3A_20 = arith.constant 0 : i32
    %dma_start3A_21 = tpu.memref_slice %arg5[%dma_start3A_14, %dma_start3A_20] : memref<32x100xi32, #tpu.memory_space<vmem>> -> memref<1x100xi32, #tpu.memory_space<vmem>>
    %dma_start3A_22 = tpu.memref_squeeze %dma_start3A_21 : memref<1x100xi32, #tpu.memory_space<vmem>> -> memref<100xi32, #tpu.memory_space<vmem>>
    %dma_start3A_23 = arith.constant 0 : i32
    %dma_start3A_24 = arith.constant 0 : i32
    %dma_start3A_25 = tpu.memref_slice %arg2[%dma_start3A_23, %dma_start3A_24] : memref<100000x128xf32, #tpu.memory_space<hbm>> -> memref<100000x128xf32, #tpu.memory_space<hbm>>
    tpu.enqueue_indirect_dma source(%dma_start3A_25 : memref<100000x128xf32, #tpu.memory_space<hbm>>) target(%dma_start3A_19 : memref<100x128xf32, #tpu.memory_space<vmem>>) offsets(%dma_start3A_22 : memref<100xi32, #tpu.memory_space<vmem>>) semaphore(%arg7 : memref<!tpu.dma_semaphore, #tpu.memory_space<semaphore_mem>>)
    %dma_start3A_26 = arith.constant 2 : i32
    %dma_start3A_27 = arith.constant 1 : i32
    %dma_start3A_28 = arith.constant 0 : i32
    %dma_start3A_29 = arith.constant 0 : i32
    %dma_start3A_30 = tpu.memref_slice %arg6[%dma_start3A_27, %dma_start3A_28, %dma_start3A_29] : memref<4x200x128xf32, #tpu.memory_space<vmem>> -> memref<1x100x128xf32, #tpu.memory_space<vmem>>
    %dma_start3A_31 = tpu.memref_squeeze %dma_start3A_30 : memref<1x100x128xf32, #tpu.memory_space<vmem>> -> memref<100x128xf32, #tpu.memory_space<vmem>>
    %dma_start3A_32 = arith.constant 0 : i32
    %dma_start3A_33 = tpu.memref_slice %arg5[%dma_start3A_26, %dma_start3A_32] : memref<32x100xi32, #tpu.memory_space<vmem>> -> memref<1x100xi32, #tpu.memory_space<vmem>>
    %dma_start3A_34 = tpu.memref_squeeze %dma_start3A_33 : memref<1x100xi32, #tpu.memory_space<vmem>> -> memref<100xi32, #tpu.memory_space<vmem>>
    %dma_start3A_35 = arith.constant 0 : i32
    %dma_start3A_36 = arith.constant 0 : i32
    %dma_start3A_37 = tpu.memref_slice %arg2[%dma_start3A_35, %dma_start3A_36] : memref<100000x128xf32, #tpu.memory_space<hbm>> -> memref<100000x128xf32, #tpu.memory_space<hbm>>
    tpu.enqueue_indirect_dma source(%dma_start3A_37 : memref<100000x128xf32, #tpu.memory_space<hbm>>) target(%dma_start3A_31 : memref<100x128xf32, #tpu.memory_space<vmem>>) offsets(%dma_start3A_34 : memref<100xi32, #tpu.memory_space<vmem>>) semaphore(%arg7 : memref<!tpu.dma_semaphore, #tpu.memory_space<semaphore_mem>>)
    %dma_start3A_38 = arith.constant 3 : i32
    %dma_start3A_39 = arith.constant 1 : i32
    %dma_start3A_40 = arith.constant 100 : i32
    %dma_start3A_41 = arith.constant 0 : i32
    %dma_start3A_42 = tpu.memref_slice %arg6[%dma_start3A_39, %dma_start3A_40, %dma_start3A_41] : memref<4x200x128xf32, #tpu.memory_space<vmem>> -> memref<1x100x128xf32, #tpu.memory_space<vmem>>
    %dma_start3A_43 = tpu.memref_squeeze %dma_start3A_42 : memref<1x100x128xf32, #tpu.memory_space<vmem>> -> memref<100x128xf32, #tpu.memory_space<vmem>>
    %dma_start3A_44 = arith.constant 0 : i32
    %dma_start3A_45 = tpu.memref_slice %arg5[%dma_start3A_38, %dma_start3A_44] : memref<32x100xi32, #tpu.memory_space<vmem>> -> memref<1x100xi32, #tpu.memory_space<vmem>>
    %dma_start3A_46 = tpu.memref_squeeze %dma_start3A_45 : memref<1x100xi32, #tpu.memory_space<vmem>> -> memref<100xi32, #tpu.memory_space<vmem>>
    %dma_start3A_47 = arith.constant 0 : i32
    %dma_start3A_48 = arith.constant 0 : i32
    %dma_start3A_49 = tpu.memref_slice %arg2[%dma_start3A_47, %dma_start3A_48] : memref<100000x128xf32, #tpu.memory_space<hbm>> -> memref<100000x128xf32, #tpu.memory_space<hbm>>
    tpu.enqueue_indirect_dma source(%dma_start3A_49 : memref<100000x128xf32, #tpu.memory_space<hbm>>) target(%dma_start3A_43 : memref<100x128xf32, #tpu.memory_space<vmem>>) offsets(%dma_start3A_46 : memref<100xi32, #tpu.memory_space<vmem>>) semaphore(%arg7 : memref<!tpu.dma_semaphore, #tpu.memory_space<semaphore_mem>>)
    %dma_start3A_50 = arith.constant 4 : i32
    %dma_start3A_51 = arith.constant 2 : i32
    %dma_start3A_52 = arith.constant 0 : i32
    %dma_start3A_53 = arith.constant 0 : i32
    %dma_start3A_54 = tpu.memref_slice %arg6[%dma_start3A_51, %dma_start3A_52, %dma_start3A_53] : memref<4x200x128xf32, #tpu.memory_space<vmem>> -> memref<1x100x128xf32, #tpu.memory_space<vmem>>
    %dma_start3A_55 = tpu.memref_squeeze %dma_start3A_54 : memref<1x100x128xf32, #tpu.memory_space<vmem>> -> memref<100x128xf32, #tpu.memory_space<vmem>>
    %dma_start3A_56 = arith.constant 0 : i32
    %dma_start3A_57 = tpu.memref_slice %arg5[%dma_start3A_50, %dma_start3A_56] : memref<32x100xi32, #tpu.memory_space<vmem>> -> memref<1x100xi32, #tpu.memory_space<vmem>>
    %dma_start3A_58 = tpu.memref_squeeze %dma_start3A_57 : memref<1x100xi32, #tpu.memory_space<vmem>> -> memref<100xi32, #tpu.memory_space<vmem>>
    %dma_start3A_59 = arith.constant 0 : i32
    %dma_start3A_60 = arith.constant 0 : i32
    %dma_start3A_61 = tpu.memref_slice %arg2[%dma_start3A_59, %dma_start3A_60] : memref<100000x128xf32, #tpu.memory_space<hbm>> -> memref<100000x128xf32, #tpu.memory_space<hbm>>
    tpu.enqueue_indirect_dma source(%dma_start3A_61 : memref<100000x128xf32, #tpu.memory_space<hbm>>) target(%dma_start3A_55 : memref<100x128xf32, #tpu.memory_space<vmem>>) offsets(%dma_start3A_58 : memref<100xi32, #tpu.memory_space<vmem>>) semaphore(%arg7 : memref<!tpu.dma_semaphore, #tpu.memory_space<semaphore_mem>>)
    %dma_start3A_62 = arith.constant 5 : i32
    %dma_start3A_63 = arith.constant 2 : i32
    %dma_start3A_64 = arith.constant 100 : i32
    %dma_start3A_65 = arith.constant 0 : i32
    %dma_start3A_66 = tpu.memref_slice %arg6[%dma_start3A_63, %dma_start3A_64, %dma_start3A_65] : memref<4x200x128xf32, #tpu.memory_space<vmem>> -> memref<1x100x128xf32, #tpu.memory_space<vmem>>
    %dma_start3A_67 = tpu.memref_squeeze %dma_start3A_66 : memref<1x100x128xf32, #tpu.memory_space<vmem>> -> memref<100x128xf32, #tpu.memory_space<vmem>>
    %dma_start3A_68 = arith.constant 0 : i32
    %dma_start3A_69 = tpu.memref_slice %arg5[%dma_start3A_62, %dma_start3A_68] : memref<32x100xi32, #tpu.memory_space<vmem>> -> memref<1x100xi32, #tpu.memory_space<vmem>>
    %dma_start3A_70 = tpu.memref_squeeze %dma_start3A_69 : memref<1x100xi32, #tpu.memory_space<vmem>> -> memref<100xi32, #tpu.memory_space<vmem>>
    %dma_start3A_71 = arith.constant 0 : i32
    %dma_start3A_72 = arith.constant 0 : i32
    %dma_start3A_73 = tpu.memref_slice %arg2[%dma_start3A_71, %dma_start3A_72] : memref<100000x128xf32, #tpu.memory_space<hbm>> -> memref<100000x128xf32, #tpu.memory_space<hbm>>
    tpu.enqueue_indirect_dma source(%dma_start3A_73 : memref<100000x128xf32, #tpu.memory_space<hbm>>) target(%dma_start3A_67 : memref<100x128xf32, #tpu.memory_space<vmem>>) offsets(%dma_start3A_70 : memref<100xi32, #tpu.memory_space<vmem>>) semaphore(%arg7 : memref<!tpu.dma_semaphore, #tpu.memory_space<semaphore_mem>>)
    %scan3A = arith.constant 0 : i32
    %scan3A_74 = arith.constant 16 : i32
    %scan3A_75 = arith.addi %scan3A, %scan3A_74 : i32
    %scan3A_76 = arith.constant 1 : i32
    scf.for %scan3A_137 = %scan3A to %scan3A_75 step %scan3A_76  : i32 {
      %mul3A_138 = arith.constant 1 : i32
      %mul3A_139 = arith.muli %scan3A_137, %mul3A_138 : i32
      %add3A_140 = arith.constant 0 : i32
      %add3A_141 = arith.addi %add3A_140, %mul3A_139 : i32
      %rem3A = arith.constant 4 : i32
      %rem3A_142 = arith.remsi %add3A_141, %rem3A : i32
      %mul3A_143 = arith.constant 2 : i32
      %mul3A_144 = arith.muli %mul3A_143, %add3A_141 : i32
      %dma_wait3A_145 = arith.constant 0 : i32
      %dma_wait3A_146 = arith.constant 0 : i32
      %dma_wait3A_147 = tpu.memref_slice %arg6[%rem3A_142, %dma_wait3A_145, %dma_wait3A_146] : memref<4x200x128xf32, #tpu.memory_space<vmem>> -> memref<1x100x128xf32, #tpu.memory_space<vmem>>
      %dma_wait3A_148 = tpu.memref_squeeze %dma_wait3A_147 : memref<1x100x128xf32, #tpu.memory_space<vmem>> -> memref<100x128xf32, #tpu.memory_space<vmem>>
      %dma_wait3A_149 = arith.constant 0 : i32
      %dma_wait3A_150 = tpu.memref_slice %arg5[%mul3A_144, %dma_wait3A_149] : memref<32x100xi32, #tpu.memory_space<vmem>> -> memref<1x100xi32, #tpu.memory_space<vmem>>
      %dma_wait3A_151 = tpu.memref_squeeze %dma_wait3A_150 : memref<1x100xi32, #tpu.memory_space<vmem>> -> memref<100xi32, #tpu.memory_space<vmem>>
      %dma_wait3A_152 = arith.constant 0 : i32
      %dma_wait3A_153 = arith.constant 0 : i32
      %dma_wait3A_154 = tpu.memref_slice %arg2[%dma_wait3A_152, %dma_wait3A_153] : memref<100000x128xf32, #tpu.memory_space<hbm>> -> memref<100000x128xf32, #tpu.memory_space<hbm>>
      tpu.wait_indirect_dma semaphore(%arg7 : memref<!tpu.dma_semaphore, #tpu.memory_space<semaphore_mem>>) src(%dma_wait3A_154 : memref<100000x128xf32, #tpu.memory_space<hbm>>) dst(%dma_wait3A_148 : memref<100x128xf32, #tpu.memory_space<vmem>>)
      %mul3A_155 = arith.constant 2 : i32
      %mul3A_156 = arith.muli %mul3A_155, %add3A_141 : i32
      %add3A_157 = arith.constant 1 : i32
      %add3A_158 = arith.addi %mul3A_156, %add3A_157 : i32
      %dma_wait3A_159 = arith.constant 100 : i32
      %dma_wait3A_160 = arith.constant 0 : i32
      %dma_wait3A_161 = tpu.memref_slice %arg6[%rem3A_142, %dma_wait3A_159, %dma_wait3A_160] : memref<4x200x128xf32, #tpu.memory_space<vmem>> -> memref<1x100x128xf32, #tpu.memory_space<vmem>>
      %dma_wait3A_162 = tpu.memref_squeeze %dma_wait3A_161 : memref<1x100x128xf32, #tpu.memory_space<vmem>> -> memref<100x128xf32, #tpu.memory_space<vmem>>
      %dma_wait3A_163 = arith.constant 0 : i32
      %dma_wait3A_164 = tpu.memref_slice %arg5[%add3A_158, %dma_wait3A_163] : memref<32x100xi32, #tpu.memory_space<vmem>> -> memref<1x100xi32, #tpu.memory_space<vmem>>
      %dma_wait3A_165 = tpu.memref_squeeze %dma_wait3A_164 : memref<1x100xi32, #tpu.memory_space<vmem>> -> memref<100xi32, #tpu.memory_space<vmem>>
      %dma_wait3A_166 = arith.constant 0 : i32
      %dma_wait3A_167 = arith.constant 0 : i32
      %dma_wait3A_168 = tpu.memref_slice %arg2[%dma_wait3A_166, %dma_wait3A_167] : memref<100000x128xf32, #tpu.memory_space<hbm>> -> memref<100000x128xf32, #tpu.memory_space<hbm>>
      tpu.wait_indirect_dma semaphore(%arg7 : memref<!tpu.dma_semaphore, #tpu.memory_space<semaphore_mem>>) src(%dma_wait3A_168 : memref<100000x128xf32, #tpu.memory_space<hbm>>) dst(%dma_wait3A_162 : memref<100x128xf32, #tpu.memory_space<vmem>>)
      %mul3A_169 = arith.constant 2 : i32
      %mul3A_170 = arith.muli %mul3A_169, %add3A_141 : i32
      %add3A_171 = arith.addi %mul3A_2, %mul3A_170 : i32
      %mul3A_172 = arith.constant 100 : i32
      %mul3A_173 = arith.muli %add3A_171, %mul3A_172 : i32
      %dma_start3A_174 = arith.constant 0 : i32
      %dma_start3A_175 = arith.constant 0 : i32
      %dma_start3A_176 = tpu.memref_slice %arg6[%rem3A_142, %dma_start3A_174, %dma_start3A_175] : memref<4x200x128xf32, #tpu.memory_space<vmem>> -> memref<1x200x128xf32, #tpu.memory_space<vmem>>
      %dma_start3A_177 = tpu.memref_squeeze %dma_start3A_176 : memref<1x200x128xf32, #tpu.memory_space<vmem>> -> memref<200x128xf32, #tpu.memory_space<vmem>>
      %dma_start3A_178 = arith.constant 0 : i32
      %dma_start3A_179 = tpu.memref_slice %arg4[%mul3A_173, %dma_start3A_178] : memref<102400x128xf32, #tpu.memory_space<hbm>> -> memref<200x128xf32, #tpu.memory_space<hbm>>
      %dma_start3A_180 = arith.constant 0 : i32
      %dma_start3A_181 = tpu.memref_slice %arg4[%mul3A_173, %dma_start3A_180] : memref<102400x128xf32, #tpu.memory_space<hbm>> -> memref<200x128xf32, #tpu.memory_space<hbm>>
      %dma_start3A_182 = arith.constant 0 : i32
      %dma_start3A_183 = arith.constant 0 : i32
      %dma_start3A_184 = tpu.memref_slice %arg6[%rem3A_142, %dma_start3A_182, %dma_start3A_183] : memref<4x200x128xf32, #tpu.memory_space<vmem>> -> memref<1x200x128xf32, #tpu.memory_space<vmem>>
      %dma_start3A_185 = tpu.memref_squeeze %dma_start3A_184 : memref<1x200x128xf32, #tpu.memory_space<vmem>> -> memref<200x128xf32, #tpu.memory_space<vmem>>
      tpu.enqueue_dma source(%dma_start3A_185 : memref<200x128xf32, #tpu.memory_space<vmem>>) target(%dma_start3A_181 : memref<200x128xf32, #tpu.memory_space<hbm>>) target_semaphore(%arg8 : memref<!tpu.dma_semaphore, #tpu.memory_space<semaphore_mem>>)
      %add3A_186 = arith.constant 3 : i32
      %add3A_187 = arith.addi %add3A_141, %add3A_186 : i32
      %lt3A = arith.constant 16 : i32
      %lt3A_188 = arith.cmpi slt, %add3A_187, %lt3A : i32
      %convert_element_type3A = arith.extui %lt3A_188 : i1 to i32
      %cond3A = arith.constant 0 : i32
      %cond3A_189 = arith.cmpi ne, %convert_element_type3A, %cond3A : i32
      scf.if %cond3A_189 {
        %add3A_190 = arith.constant 3 : i32
        %add3A_191 = arith.addi %add3A_141, %add3A_190 : i32
        %rem3A_192 = arith.constant 4 : i32
        %rem3A_193 = arith.remsi %add3A_191, %rem3A_192 : i32
        %ge3A = arith.constant 1 : i32
        %ge3A_194 = arith.cmpi sge, %add3A_141, %ge3A : i32
        %convert_element_type3A_195 = arith.extui %ge3A_194 : i1 to i32
        %cond3A_196 = arith.constant 0 : i32
        %cond3A_197 = arith.cmpi ne, %convert_element_type3A_195, %cond3A_196 : i32
        scf.if %cond3A_197 {
          %sub3A = arith.constant 1 : i32
          %sub3A_226 = arith.subi %add3A_141, %sub3A : i32
          %mul3A_227 = arith.constant 2 : i32
          %mul3A_228 = arith.muli %mul3A_227, %sub3A_226 : i32
          %add3A_229 = arith.addi %mul3A_2, %mul3A_228 : i32
          %mul3A_230 = arith.constant 100 : i32
          %mul3A_231 = arith.muli %add3A_229, %mul3A_230 : i32
          %dma_wait3A_232 = arith.constant 0 : i32
          %dma_wait3A_233 = arith.constant 0 : i32
          %dma_wait3A_234 = tpu.memref_slice %arg6[%rem3A_193, %dma_wait3A_232, %dma_wait3A_233] : memref<4x200x128xf32, #tpu.memory_space<vmem>> -> memref<1x200x128xf32, #tpu.memory_space<vmem>>
          %dma_wait3A_235 = tpu.memref_squeeze %dma_wait3A_234 : memref<1x200x128xf32, #tpu.memory_space<vmem>> -> memref<200x128xf32, #tpu.memory_space<vmem>>
          %dma_wait3A_236 = arith.constant 0 : i32
          %dma_wait3A_237 = tpu.memref_slice %arg4[%mul3A_231, %dma_wait3A_236] : memref<102400x128xf32, #tpu.memory_space<hbm>> -> memref<200x128xf32, #tpu.memory_space<hbm>>
          %dma_wait3A_238 = arith.constant 0 : i32
          %dma_wait3A_239 = tpu.memref_slice %arg4[%mul3A_231, %dma_wait3A_238] : memref<102400x128xf32, #tpu.memory_space<hbm>> -> memref<200x128xf32, #tpu.memory_space<hbm>>
          %dma_wait3A_240 = arith.constant 0 : i32
          %dma_wait3A_241 = arith.constant 0 : i32
          %dma_wait3A_242 = tpu.memref_slice %arg6[%rem3A_193, %dma_wait3A_240, %dma_wait3A_241] : memref<4x200x128xf32, #tpu.memory_space<vmem>> -> memref<1x200x128xf32, #tpu.memory_space<vmem>>
          %dma_wait3A_243 = tpu.memref_squeeze %dma_wait3A_242 : memref<1x200x128xf32, #tpu.memory_space<vmem>> -> memref<200x128xf32, #tpu.memory_space<vmem>>
          tpu.wait_dma2 semaphore(%arg8 : memref<!tpu.dma_semaphore, #tpu.memory_space<semaphore_mem>>) src(%dma_wait3A_243 : memref<200x128xf32, #tpu.memory_space<vmem>>) dst(%dma_wait3A_239 : memref<200x128xf32, #tpu.memory_space<hbm>>)
        } else {
        }
        %add3A_198 = arith.constant 3 : i32
        %add3A_199 = arith.addi %add3A_141, %add3A_198 : i32
        %mul3A_200 = arith.constant 2 : i32
        %mul3A_201 = arith.muli %mul3A_200, %add3A_199 : i32
        %dma_start3A_202 = arith.constant 0 : i32
        %dma_start3A_203 = arith.constant 0 : i32
        %dma_start3A_204 = tpu.memref_slice %arg6[%rem3A_193, %dma_start3A_202, %dma_start3A_203] : memref<4x200x128xf32, #tpu.memory_space<vmem>> -> memref<1x100x128xf32, #tpu.memory_space<vmem>>
        %dma_start3A_205 = tpu.memref_squeeze %dma_start3A_204 : memref<1x100x128xf32, #tpu.memory_space<vmem>> -> memref<100x128xf32, #tpu.memory_space<vmem>>
        %dma_start3A_206 = arith.constant 0 : i32
        %dma_start3A_207 = tpu.memref_slice %arg5[%mul3A_201, %dma_start3A_206] : memref<32x100xi32, #tpu.memory_space<vmem>> -> memref<1x100xi32, #tpu.memory_space<vmem>>
        %dma_start3A_208 = tpu.memref_squeeze %dma_start3A_207 : memref<1x100xi32, #tpu.memory_space<vmem>> -> memref<100xi32, #tpu.memory_space<vmem>>
        %dma_start3A_209 = arith.constant 0 : i32
        %dma_start3A_210 = arith.constant 0 : i32
        %dma_start3A_211 = tpu.memref_slice %arg2[%dma_start3A_209, %dma_start3A_210] : memref<100000x128xf32, #tpu.memory_space<hbm>> -> memref<100000x128xf32, #tpu.memory_space<hbm>>
        tpu.enqueue_indirect_dma source(%dma_start3A_211 : memref<100000x128xf32, #tpu.memory_space<hbm>>) target(%dma_start3A_205 : memref<100x128xf32, #tpu.memory_space<vmem>>) offsets(%dma_start3A_208 : memref<100xi32, #tpu.memory_space<vmem>>) semaphore(%arg7 : memref<!tpu.dma_semaphore, #tpu.memory_space<semaphore_mem>>)
        %mul3A_212 = arith.constant 2 : i32
        %mul3A_213 = arith.muli %mul3A_212, %add3A_199 : i32
        %add3A_214 = arith.constant 1 : i32
        %add3A_215 = arith.addi %mul3A_213, %add3A_214 : i32
        %dma_start3A_216 = arith.constant 100 : i32
        %dma_start3A_217 = arith.constant 0 : i32
        %dma_start3A_218 = tpu.memref_slice %arg6[%rem3A_193, %dma_start3A_216, %dma_start3A_217] : memref<4x200x128xf32, #tpu.memory_space<vmem>> -> memref<1x100x128xf32, #tpu.memory_space<vmem>>
        %dma_start3A_219 = tpu.memref_squeeze %dma_start3A_218 : memref<1x100x128xf32, #tpu.memory_space<vmem>> -> memref<100x128xf32, #tpu.memory_space<vmem>>
        %dma_start3A_220 = arith.constant 0 : i32
        %dma_start3A_221 = tpu.memref_slice %arg5[%add3A_215, %dma_start3A_220] : memref<32x100xi32, #tpu.memory_space<vmem>> -> memref<1x100xi32, #tpu.memory_space<vmem>>
        %dma_start3A_222 = tpu.memref_squeeze %dma_start3A_221 : memref<1x100xi32, #tpu.memory_space<vmem>> -> memref<100xi32, #tpu.memory_space<vmem>>
        %dma_start3A_223 = arith.constant 0 : i32
        %dma_start3A_224 = arith.constant 0 : i32
        %dma_start3A_225 = tpu.memref_slice %arg2[%dma_start3A_223, %dma_start3A_224] : memref<100000x128xf32, #tpu.memory_space<hbm>> -> memref<100000x128xf32, #tpu.memory_space<hbm>>
        tpu.enqueue_indirect_dma source(%dma_start3A_225 : memref<100000x128xf32, #tpu.memory_space<hbm>>) target(%dma_start3A_219 : memref<100x128xf32, #tpu.memory_space<vmem>>) offsets(%dma_start3A_222 : memref<100xi32, #tpu.memory_space<vmem>>) semaphore(%arg7 : memref<!tpu.dma_semaphore, #tpu.memory_space<semaphore_mem>>)
      } else {
      }
    }
    %scan3A_77 = arith.constant 16 : i32
    %mul3A_78 = arith.constant 100 : i32
    %mul3A_79 = arith.muli %mul3A_2, %mul3A_78 : i32
    %dma_wait3A = arith.constant 0 : i32
    %dma_wait3A_80 = arith.constant 0 : i32
    %dma_wait3A_81 = arith.constant 0 : i32
    %dma_wait3A_82 = tpu.memref_slice %arg6[%dma_wait3A, %dma_wait3A_80, %dma_wait3A_81] : memref<4x200x128xf32, #tpu.memory_space<vmem>> -> memref<1x200x128xf32, #tpu.memory_space<vmem>>
    %dma_wait3A_83 = tpu.memref_squeeze %dma_wait3A_82 : memref<1x200x128xf32, #tpu.memory_space<vmem>> -> memref<200x128xf32, #tpu.memory_space<vmem>>
    %dma_wait3A_84 = arith.constant 0 : i32
    %dma_wait3A_85 = tpu.memref_slice %arg4[%mul3A_79, %dma_wait3A_84] : memref<102400x128xf32, #tpu.memory_space<hbm>> -> memref<200x128xf32, #tpu.memory_space<hbm>>
    %dma_wait3A_86 = arith.constant 0 : i32
    %dma_wait3A_87 = tpu.memref_slice %arg4[%mul3A_79, %dma_wait3A_86] : memref<102400x128xf32, #tpu.memory_space<hbm>> -> memref<200x128xf32, #tpu.memory_space<hbm>>
    %dma_wait3A_88 = arith.constant 0 : i32
    %dma_wait3A_89 = arith.constant 0 : i32
    %dma_wait3A_90 = tpu.memref_slice %arg6[%dma_wait3A, %dma_wait3A_88, %dma_wait3A_89] : memref<4x200x128xf32, #tpu.memory_space<vmem>> -> memref<1x200x128xf32, #tpu.memory_space<vmem>>
    %dma_wait3A_91 = tpu.memref_squeeze %dma_wait3A_90 : memref<1x200x128xf32, #tpu.memory_space<vmem>> -> memref<200x128xf32, #tpu.memory_space<vmem>>
    tpu.wait_dma2 semaphore(%arg8 : memref<!tpu.dma_semaphore, #tpu.memory_space<semaphore_mem>>) src(%dma_wait3A_91 : memref<200x128xf32, #tpu.memory_space<vmem>>) dst(%dma_wait3A_87 : memref<200x128xf32, #tpu.memory_space<hbm>>)
    %mul3A_92 = arith.constant 100 : i32
    %mul3A_93 = arith.muli %mul3A_2, %mul3A_92 : i32
    %dma_wait3A_94 = arith.constant 0 : i32
    %dma_wait3A_95 = arith.constant 0 : i32
    %dma_wait3A_96 = arith.constant 0 : i32
    %dma_wait3A_97 = tpu.memref_slice %arg6[%dma_wait3A_94, %dma_wait3A_95, %dma_wait3A_96] : memref<4x200x128xf32, #tpu.memory_space<vmem>> -> memref<1x200x128xf32, #tpu.memory_space<vmem>>
    %dma_wait3A_98 = tpu.memref_squeeze %dma_wait3A_97 : memref<1x200x128xf32, #tpu.memory_space<vmem>> -> memref<200x128xf32, #tpu.memory_space<vmem>>
    %dma_wait3A_99 = arith.constant 0 : i32
    %dma_wait3A_100 = tpu.memref_slice %arg4[%mul3A_93, %dma_wait3A_99] : memref<102400x128xf32, #tpu.memory_space<hbm>> -> memref<200x128xf32, #tpu.memory_space<hbm>>
    %dma_wait3A_101 = arith.constant 0 : i32
    %dma_wait3A_102 = tpu.memref_slice %arg4[%mul3A_93, %dma_wait3A_101] : memref<102400x128xf32, #tpu.memory_space<hbm>> -> memref<200x128xf32, #tpu.memory_space<hbm>>
    %dma_wait3A_103 = arith.constant 0 : i32
    %dma_wait3A_104 = arith.constant 0 : i32
    %dma_wait3A_105 = tpu.memref_slice %arg6[%dma_wait3A_94, %dma_wait3A_103, %dma_wait3A_104] : memref<4x200x128xf32, #tpu.memory_space<vmem>> -> memref<1x200x128xf32, #tpu.memory_space<vmem>>
    %dma_wait3A_106 = tpu.memref_squeeze %dma_wait3A_105 : memref<1x200x128xf32, #tpu.memory_space<vmem>> -> memref<200x128xf32, #tpu.memory_space<vmem>>
    tpu.wait_dma2 semaphore(%arg8 : memref<!tpu.dma_semaphore, #tpu.memory_space<semaphore_mem>>) src(%dma_wait3A_106 : memref<200x128xf32, #tpu.memory_space<vmem>>) dst(%dma_wait3A_102 : memref<200x128xf32, #tpu.memory_space<hbm>>)
    %mul3A_107 = arith.constant 100 : i32
    %mul3A_108 = arith.muli %mul3A_2, %mul3A_107 : i32
    %dma_wait3A_109 = arith.constant 0 : i32
    %dma_wait3A_110 = arith.constant 0 : i32
    %dma_wait3A_111 = arith.constant 0 : i32
    %dma_wait3A_112 = tpu.memref_slice %arg6[%dma_wait3A_109, %dma_wait3A_110, %dma_wait3A_111] : memref<4x200x128xf32, #tpu.memory_space<vmem>> -> memref<1x200x128xf32, #tpu.memory_space<vmem>>
    %dma_wait3A_113 = tpu.memref_squeeze %dma_wait3A_112 : memref<1x200x128xf32, #tpu.memory_space<vmem>> -> memref<200x128xf32, #tpu.memory_space<vmem>>
    %dma_wait3A_114 = arith.constant 0 : i32
    %dma_wait3A_115 = tpu.memref_slice %arg4[%mul3A_108, %dma_wait3A_114] : memref<102400x128xf32, #tpu.memory_space<hbm>> -> memref<200x128xf32, #tpu.memory_space<hbm>>
    %dma_wait3A_116 = arith.constant 0 : i32
    %dma_wait3A_117 = tpu.memref_slice %arg4[%mul3A_108, %dma_wait3A_116] : memref<102400x128xf32, #tpu.memory_space<hbm>> -> memref<200x128xf32, #tpu.memory_space<hbm>>
    %dma_wait3A_118 = arith.constant 0 : i32
    %dma_wait3A_119 = arith.constant 0 : i32
    %dma_wait3A_120 = tpu.memref_slice %arg6[%dma_wait3A_109, %dma_wait3A_118, %dma_wait3A_119] : memref<4x200x128xf32, #tpu.memory_space<vmem>> -> memref<1x200x128xf32, #tpu.memory_space<vmem>>
    %dma_wait3A_121 = tpu.memref_squeeze %dma_wait3A_120 : memref<1x200x128xf32, #tpu.memory_space<vmem>> -> memref<200x128xf32, #tpu.memory_space<vmem>>
    tpu.wait_dma2 semaphore(%arg8 : memref<!tpu.dma_semaphore, #tpu.memory_space<semaphore_mem>>) src(%dma_wait3A_121 : memref<200x128xf32, #tpu.memory_space<vmem>>) dst(%dma_wait3A_117 : memref<200x128xf32, #tpu.memory_space<hbm>>)
    %mul3A_122 = arith.constant 100 : i32
    %mul3A_123 = arith.muli %mul3A_2, %mul3A_122 : i32
    %dma_wait3A_124 = arith.constant 0 : i32
    %dma_wait3A_125 = arith.constant 0 : i32
    %dma_wait3A_126 = arith.constant 0 : i32
    %dma_wait3A_127 = tpu.memref_slice %arg6[%dma_wait3A_124, %dma_wait3A_125, %dma_wait3A_126] : memref<4x200x128xf32, #tpu.memory_space<vmem>> -> memref<1x200x128xf32, #tpu.memory_space<vmem>>
    %dma_wait3A_128 = tpu.memref_squeeze %dma_wait3A_127 : memref<1x200x128xf32, #tpu.memory_space<vmem>> -> memref<200x128xf32, #tpu.memory_space<vmem>>
    %dma_wait3A_129 = arith.constant 0 : i32
    %dma_wait3A_130 = tpu.memref_slice %arg4[%mul3A_123, %dma_wait3A_129] : memref<102400x128xf32, #tpu.memory_space<hbm>> -> memref<200x128xf32, #tpu.memory_space<hbm>>
    %dma_wait3A_131 = arith.constant 0 : i32
    %dma_wait3A_132 = tpu.memref_slice %arg4[%mul3A_123, %dma_wait3A_131] : memref<102400x128xf32, #tpu.memory_space<hbm>> -> memref<200x128xf32, #tpu.memory_space<hbm>>
    %dma_wait3A_133 = arith.constant 0 : i32
    %dma_wait3A_134 = arith.constant 0 : i32
    %dma_wait3A_135 = tpu.memref_slice %arg6[%dma_wait3A_124, %dma_wait3A_133, %dma_wait3A_134] : memref<4x200x128xf32, #tpu.memory_space<vmem>> -> memref<1x200x128xf32, #tpu.memory_space<vmem>>
    %dma_wait3A_136 = tpu.memref_squeeze %dma_wait3A_135 : memref<1x200x128xf32, #tpu.memory_space<vmem>> -> memref<200x128xf32, #tpu.memory_space<vmem>>
    tpu.wait_dma2 semaphore(%arg8 : memref<!tpu.dma_semaphore, #tpu.memory_space<semaphore_mem>>) src(%dma_wait3A_136 : memref<200x128xf32, #tpu.memory_space<vmem>>) dst(%dma_wait3A_132 : memref<200x128xf32, #tpu.memory_space<hbm>>)
    return
  }
}

</mosaic_0001>

<sc_bundles>
// kernel: kernel.3.cloned.1.call-start
scs
__scs_entry_jumppad:
0x0: {  	(pc) =	sbr.rel $0x88, $3  }
0x1: {  	(tag) =	ssettag $0x0;
	lr =	simm.s32 $0x1  }
0x2: {  	[smem:$0x3F9F] =	sst lr;
	_ =	strace $0xD0000000  }
0x3: {  	_ = 	snop  }
0x4: {  	_ = 	snop  }
0x5: {  	_ = 	snop  }
0x6: {  	_ = 	snop  }
0x7: {  	_ = 	snop  }
__scs_overlays_trampoline_lowered:
0x8: {  	[smem:$0x3FAE] =	sst s0  }
0x9: {  	[smem:$0x3FAF] =	sst s1  }
0xa: {  	[smem:$0x3FB0] =	sst s2  }
0xb: {  	[smem:$0x3FB1] =	sst s3  }
0xc: {  	[smem:$0x3FB2] =	sst s4  }
0xd: {  	[smem:$0x3FB3] =	sst s5  }
0xe: {  	[smem:$0x3FB4] =	sst s6  }
0xf: {  	[smem:$0x3FB5] =	sst s7  }
0x10: {  	[smem:$0x3FB6] =	sst s8  }
0x11: {  	[smem:$0x3FB7] =	sst s9;
	s0 =	simm.s32 @!p0 $0x0  }
0x12: {  	s1 =	sld [smem:$0x3F9D];
	s0 =	simm.s32 @p0 $0x1  }
0x13: {  	[smem:$0x3FB8] =	sst s0;
	s0 =	simm.s32 @!p1 $0x0  }
0x14: {  	s2 =	sld [smem:$0x3F9C];
	s0 =	simm.s32 @p1 $0x1  }
0x15: {  	[smem:$0x3FB9] =	sst s0;
	s0 =	simm.s32 @!p2 $0x0  }
0x16: {  	s3 =	sld [smem:$0x3FDB];
	s0 =	simm.s32 @p2 $0x1  }
0x17: {  	s4 =	simm.s32 $0x1BF5;
	[smem:$0x3FBB] =	sst s0  }
0x18: {  	s0 =	sld [smem:$0x3F9E];
	_ =	swait.ge [sflag:s4], $0x0  }
0x19: {  	s7 =	sld [smem:$0x3F9F]  }
0x1a: {  	s8 =	sadd.s32 $0xFFFFE003, lr  }
0x1b: {  	s9 =	sadd.s32 $0xFFFFFEF7, lr;
	s5 =	simm.s32 $0xFFFFFFFF;
	p2 =	slt.u32 s8, $0xFFFFF086  }
0x1c: {  	p1 =	slt.u32 s9, $0xF7A;
	s5 =	simm.s32 @!p2 $0x0  }
0x1d: {  	s5 =	simm.s32 @p1 $0x1;
	p0 =	seq.s32 s7, s2  }
0x1e: {  	s7 =	smul.u32 @!p0 $0xF7A, s2;
	p2 =	seq.s32 @!p0 s5, $0x0  }
0x1f: {  	s9 =	smul.u32 $0xF7A, s1;
	s8 =	simm.s32 @!p0 $0x1BF5;
	p2 =	por !p2, p0  }
0x20: {  	[sflag:s8] =	ssyncset.s32 @!p0 $0xFFFFF086;
	s6 =	sadd.s32 @!p0 s3, s7;
	s7 =	simm.s32 @!p0 $0x108  }
0x21: {  	s3 =	sadd.s32 s3, s9;
	s6 =	sadd.s32 @!p0 $0x88, s6;
	s7 =	simm.s32 @p2 $0x1082  }
0x22: {  	[simem:s7], [sflag:s8] =	dma.local @!p0 [hbm:s6], $0xF7A  }
0x23: {  	s9 =	sor.u32 $0xD0000000, s2;
	s6 =	simm.s32 $0x108;
	_ =	swait.ge @!p0 [sflag:s8], $0x0  }
0x24: {  	s3 =	sadd.s32 $0x88, s3;
	s6 =	simm.s32 @!p1 $0x1082;
	[sflag:s4] =	ssyncset.s32 $0xFFFFF086  }
0x25: {  	[simem:s6], [sflag:s4] =	dma.local [hbm:s3], $0xF7A  }
0x26: {  	[smem:$0x3F9F] =	sst s1;
	(tag) =	ssettag s2;
	_ =	strace s9  }
0x27: {  	s1 =	sld [smem:$0x3FAF]  }
0x28: {  	s2 =	sld [smem:$0x3FB0]  }
0x29: {  	s4 =	sld [smem:$0x3FB2]  }
0x2a: {  	p0 =	seq.s32 s5, $0x0;
	s5 =	sld [smem:$0x3FB3]  }
0x2b: {  	s6 =	sld [smem:$0x3FB4]  }
0x2c: {  	s7 =	sld [smem:$0x3FB5]  }
0x2d: {  	s3 =	simm.s32 $0x108;
	s8 =	sld [smem:$0x3FB6]  }
0x2e: {  	s3 =	simm.s32 @!p0 $0x1082;
	s9 =	sld [smem:$0x3FB7]  }
0x2f: {  	lr =	sadd.s32 s0, s3;
	s0 =	sld [smem:$0x3FAE]  }
0x30: {  	s3 =	sld [smem:$0x3FB1]  }
0x31: {  	[smem:$0x3FBA] =	sst s10  }
0x32: {  	s10 =	sld [smem:$0x3FB8];
	_ =	sdelay $0x3  }
0x33: {  	p0 =	seq.s32 s10, $0x1;
	s10 =	sld [smem:$0x3FBA];
	_ =	sdelay $0x3  }
0x34: {  	[smem:$0x3FBA] =	sst s10  }
0x35: {  	s10 =	sld [smem:$0x3FB9];
	_ =	sdelay $0x3  }
0x36: {  	p1 =	seq.s32 s10, $0x1;
	s10 =	sld [smem:$0x3FBA];
	_ =	sdelay $0x3  }
0x37: {  	[smem:$0x3FBA] =	sst s10  }
0x38: {  	s10 =	sld [smem:$0x3FBB]  }
0x39: {  	_ = 	snop;
	(pc) =	sbr.ind lr, $3  }
0x3a: {  	_ = 	snop  }
0x3b: {  	_ = 	snop  }
0x3c: {  	p2 =	seq.s32 s10, $0x1;
	s10 =	sld [smem:$0x3FBA]  }
0x3d: {  	_ =	shalt  }
0x3e: {  	_ =	shalt  }
0x3f: {  	_ =	shalt  }
0x40: {  	_ =	shalt  }
0x41: {  	_ =	shalt  }
0x42: {  	_ =	shalt  }
0x43: {  	_ =	shalt  }
0x44: {  	_ =	shalt  }
0x45: {  	_ =	shalt  }
0x46: {  	_ =	shalt  }
0x47: {  	_ =	shalt  }
0x48: {  	_ =	shalt  }
0x49: {  	_ =	shalt  }
0x4a: {  	_ =	shalt  }
0x4b: {  	_ =	shalt  }
0x4c: {  	_ =	shalt  }
0x4d: {  	_ =	shalt  }
0x4e: {  	_ =	shalt  }
0x4f: {  	_ =	shalt  }
0x50: {  	_ =	shalt  }
0x51: {  	_ =	shalt  }
0x52: {  	_ =	shalt  }
0x53: {  	_ =	shalt  }
0x54: {  	_ =	shalt  }
0x55: {  	_ =	shalt  }
0x56: {  	_ =	shalt  }
0x57: {  	_ =	shalt  }
0x58: {  	_ =	shalt  }
0x59: {  	_ =	shalt  }
0x5a: {  	_ =	shalt  }
0x5b: {  	_ =	shalt  }
0x5c: {  	_ =	shalt  }
0x5d: {  	_ =	shalt  }
0x5e: {  	_ =	shalt  }
0x5f: {  	_ =	shalt  }
0x60: {  	_ =	shalt  }
0x61: {  	_ =	shalt  }
0x62: {  	_ =	shalt  }
0x63: {  	_ =	shalt  }
0x64: {  	_ =	shalt  }
0x65: {  	_ =	shalt  }
0x66: {  	_ =	shalt  }
0x67: {  	_ =	shalt  }
0x68: {  	_ =	shalt  }
0x69: {  	_ =	shalt  }
0x6a: {  	_ =	shalt  }
0x6b: {  	_ =	shalt  }
0x6c: {  	_ =	shalt  }
0x6d: {  	_ =	shalt  }
0x6e: {  	_ =	shalt  }
0x6f: {  	_ =	shalt  }
0x70: {  	_ =	shalt  }
0x71: {  	_ =	shalt  }
0x72: {  	_ =	shalt  }
0x73: {  	_ =	shalt  }
0x74: {  	_ =	shalt  }
0x75: {  	_ =	shalt  }
0x76: {  	_ =	shalt  }
0x77: {  	_ =	shalt  }
0x78: {  	_ =	shalt  }
0x79: {  	_ =	shalt  }
0x7a: {  	_ =	shalt  }
0x7b: {  	_ =	shalt  }
0x7c: {  	_ =	shalt  }
0x7d: {  	_ =	shalt  }
0x7e: {  	_ =	shalt  }
0x7f: {  	_ =	shalt  }
0x80: {  	_ =	shalt  }
0x81: {  	_ =	shalt  }
0x82: {  	_ =	shalt  }
0x83: {  	_ =	shalt  }
0x84: {  	_ =	shalt  }
0x85: {  	_ =	shalt  }
0x86: {  	_ =	shalt  }
0x87: {  	_ =	shalt  }
.Lfunc_end0:
.L_simem_size_0:
called_computation_lowered:
.L_overlay_start_0:
0x88: {  	s2 =	sld [smem:$0x3FD9]  }
0x89: {  	s3 =	sld [smem:$0x3FFE];
	_ =	sdelay $0x1  }
0x8a: {  	s1 =	srdreg.scid  }
0x8b: {  	s0 =	sand.u32 $0x1, s1  }
0x8c: {  	s17 =	sshll.u32 s0, $0xA;
	s2 =	sadd.s32 s3, s2  }
0x8d: {  	s2 =	sadd.s32 s2, s17  }
0x8e: {  	[smem:$0x3FC6] =	sst s2  }
0x8f: {  	_ = 	snop  }
0x90: {  	s2 =	sld [smem:$0x3FC9]  }
0x91: {  	s18 =	sld [smem:$0x3FD0];
	(tm) =	ssettm $0x1  }
0x92: {  	s4 =	sld [smem:$0x3FFB];
	_ =	sdelay $0x3  }
0x93: {  	_ =	strace s4  }
0x94: {  	s4 =	sld [smem:$0x3FFC];
	_ =	sdelay $0x3  }
0x95: {  	_ =	strace s4  }
0x96: {  	s4 =	sld [smem:$0x3FFD];
	_ =	sdelay $0x3  }
0x97: {  	_ =	strace s4  }
0x98: {  	_ =	strace $0x8FFFFFFF  }
0x99: {  	s19 =	sld [smem:$0x3FDB];
	_ =	sdelay $0x1  }
0x9a: {  	s5 =	simm.s32 $_scs_section_size  }
0x9b: {  	s6 =	simm.s32 $_size__tile_overlayer_lowered;
	s7 =	simm.s32 $_tile_overlayer_lowered  }
0x9c: {  	s22 =	simm.s32 $0x1BFF;
	s21 =	sshll.u32 s7, $0x1;
	s4 =	sadd.s32 s5, s19  }
0x9d: {  	s8 =	simm.s32 $0x0;
	s20 =	sshll.u32 s6, $0x1;
	s6 =	sadd.s32 s21, s4  }
0x9e: {  	[timem:s8], [sflag:s22] =	dma.local [hbm:s6], s20  }
0x9f: {  	_ =	swait.ge [sflag:s22], s20  }
0xa0: {  	s5 =	ssub.s32 $0x0, s20;
	[sflag:s22] =	ssyncset.done $0x0  }
0xa1: {  	[sflag:s22] =	ssyncadd.s32 s5;
	_ =	sdelay $0x1  }
0xa2: {  	s23 =	simm.s32 $0x1B8B  }
0xa3: {  	_ =	swait.ge [sflag:s23], $0x1  }
0xa4: {  	[sflag:s23] =	ssyncset.done $0x0  }
0xa5: {  	s25 =	simm.s32 $0x1B8E;
	s24 =	sld [smem:$0x3FFE];
	[sflag:s23] =	ssyncadd.s32 $0xFFFFFFFF  }
0xa6: {  	s26 =	simm.s32 $execute0_lowered;
	[smem:$0x3FD2] =	sst s25  }
0xa7: {  	s6 =	sshll.u32 s26, $0x1;
	_ =	strace $0x80000046;
	[dreg:$0x1] =	wrdreg $0xFFFFFFFF  }
0xa8: {  	s28 =	simm.s32 $_size_execute0_lowered;
	s4 =	sadd.s32 s4, s6;
	[dreg:$0x0] =	wrdreg $0x0  }
0xa9: {  	s6 =	sshll.u32 s28, $0x1;
	[dreg:$0x2] =	wrdreg s4  }
0xaa: {  	[dreg:$0x3] =	wrdreg s6  }
0xab: {  	[dreg:$0x4] =	wrdreg $0xC0  }
0xac: {  	_ =	task [dreg:s8], $0x5FFFF  }
0xad: {  	[dreg:$0x1] =	wrdreg $0xFFFFFFFF  }
0xae: {  	[dreg:$0x0] =	wrdreg $0x60  }
0xaf: {  	[dreg:$0x2] =	wrdreg s2  }
0xb0: {  	[dreg:$0x3] =	wrdreg s24  }
0xb1: {  	[dreg:$0x4] =	wrdreg s18  }
0xb2: {  	[dreg:$0x5] =	wrdreg $0x9  }
0xb3: {  	_ =	task.clear_ibuf [dreg:s8], $0x6FFFF;
	_ =	strace $0x90000046  }
0xb4: {  	s29 =	simm.s32 $0x9;
	_ =	strace $0x80000048  }
0xb5: {  	_ =	swait.ge [sflag:s29], $0x1  }
0xb6: {  	[sflag:s29] =	ssyncadd.s32 $0xFFFFFFFF  }
0xb7: {  	_ =	strace $0x90000048  }
0xb8: {  	_ =	sfence  }
0xb9: {  	s30 =	sld [smem:$0x0];
	_ =	sdelay $0x2  }
0xba: {  	s31 =	sshll.u32 s1, $0xD;
	s1 =	sshrl.u32 s1, $0x2  }
0xbb: {  	s3 =	sand.u32 $0x4000, s31;
	s1 =	sadd.s32 s1, s30  }
0xbc: {  	s0 =	sor.u32 s3, s0;
	s1 =	sshll.u32 s1, $0x11  }
0xbd: {  	s0 =	sor.u32 s1, s0  }
0xbe: {  	s0 =	sadd.s32 $0x8F2B, s0  }
0xbf: {  	[sflag:s0] =	ssyncadd.remote.s32 $0x1  }
0xc0: {  	_ =	sfence.sel $0xFFFF  }
0xc1: {  	[dreg:$0x0] =	wrdreg $0xFFFFFFFF;
	(pc) =	sbr.abs _section_cstart, $3  }
0xc2: {  	[dreg:$0x1] =	wrdreg $0xFFFFFFFF  }
0xc3: {  	_ =	task.clear_ibuf [dreg:s8], $0x2FFFF;
	_ =	strace $0x9FFFFFFF  }
0xc4: {  	(tm) =	ssettm $0x7FFFFFFF  }
0xc5: {  	_ =	shalt  }
tec
execute0_lowered:
.L_overlay_start_1:
0x0: {  	(tag) =	ssettag $0x1  }
0x1: {  	s1 =	rddreg [dreg:$0x0]  }
0x2: {  	s0 =	rddreg [dreg:$0x1]  }
0x3: {  	s2 =	rddreg [dreg:$0x2]  }
0x4: {  	s3 =	srdreg.scid;
	s8 =	stileid.u32;
	s10 =	simm.s32 $0x1000  }
0x5: {  	s15 =	simm.s32 $0x180;
	s16 =	simm.s32 $0xA600;
	s17 =	simm.s32 $0x200  }
0x6: {  	s18 =	simm.s32 $0xD800;
	s19 =	simm.s32 $0x280;
	s20 =	simm.s32 $0x10A00  }
0x7: {  	s21 =	simm.s32 $0x1;
	s22 =	simm.s32 $0x300;
	s23 =	simm.s32 $0x13C00  }
0x8: {  	s24 =	simm.s32 $0x380;
	s25 =	simm.s32 $0x16E00;
	s26 =	simm.s32 $0x2  }
0x9: {  	s28 =	simm.s32 $0x0;
	s4 =	sand.u32 $0x1, s3;
	s3 =	simm.s32 $0x0  }
0xa: {  	s5 =	sshll.u32 s8, $0x6;
	s8 =	smul.u32 $0x19000, s8;
	s6 =	sshll.u32 s4, $0x5  }
0xb: {  	[smem:$0x7FF] =	sst s3;
	s7 =	ssub.s32 $0x2, s4;
	s9 =	smul.u32 $0xC800, s4  }
0xc: {  	s5 =	sor.u32 s6, s5;
	_ =	strace $0x80000047;
	s30 =	sshrl.u32 s7, $0x1  }
0xd: {  	s31 =	sadd.s32 s8, s2;
	s6 =	smul.u32 $0x640, s5;
	s5 =	sshll.u32 s5, $0x4  }
0xe: {  	s8 =	simm.s32 $0x3;
	s0 =	sadd.s32 s5, s0;
	s5 =	ssub.s32 s7, s30  }
0xf: {  	s4 =	sadd.s32 $0x400, s0;
	s5 =	smax.u32 s5, $0x1;
	s0 =	sadd.s32 s9, s31  }
0x10: {  	s6 =	sadd.s32 s2, s6;
	s9 =	simm.s32 $0x64;
	s7 =	sadd.s32 $0xC80, s0  }
.LBB2_1:
0x11: {  	[tilespmem:s3], [sflag:$0x3] =	stream.linear.gather [hbm4b:s4+s3], $0x1000, $0x38;
	[tilespmem:$0x1A000] =	vst v63  }
0x12: {  	_ =	swait.ge [sflag:s8], $0x1000  }
0x13: {  	[sflag:s8] =	ssyncset.done $0x0  }
0x14: {  	[sflag:s8] =	ssyncadd.s32 $0xFFFFF000  }
0x15: {  	[tilespmem:s10], [sflag:$0x1] =	stream.indirect.gather [hbm4b:s1+s9], $0x80, s3, s9, $0xb8;
	[tilespmem:$0x1A000] =	vst v63  }
0x16: {  	s0 =	simm.s32 $0x80;
	s2 =	simm.s32 $0x4200  }
0x17: {  	[tilespmem:s2], [sflag:$0x1] =	stream.indirect.gather [hbm4b:s1+s9], $0x80, s0, s9, $0xb8;
	[tilespmem:$0x1A000] =	vst v63  }
0x18: {  	s12 =	simm.s32 $0x100;
	s13 =	simm.s32 $0x7400  }
0x19: {  	[tilespmem:s13], [sflag:$0x1] =	stream.indirect.gather [hbm4b:s1+s9], $0x80, s12, s9, $0xb8;
	[tilespmem:$0x1A000] =	vst v63  }
0x1a: {  	_ = 	snop  }
0x1b: {  	[tilespmem:s16], [sflag:$0x1] =	stream.indirect.gather [hbm4b:s1+s9], $0x80, s15, s9, $0xb8;
	[tilespmem:$0x1A000] =	vst v63  }
0x1c: {  	_ = 	snop  }
0x1d: {  	[tilespmem:s18], [sflag:$0x1] =	stream.indirect.gather [hbm4b:s1+s9], $0x80, s17, s9, $0xb8;
	[tilespmem:$0x1A000] =	vst v63  }
0x1e: {  	_ = 	snop  }
0x1f: {  	[tilespmem:s20], [sflag:$0x1] =	stream.indirect.gather [hbm4b:s1+s9], $0x80, s19, s9, $0xb8;
	[tilespmem:$0x1A000] =	vst v63  }
0x20: {  	_ =	swait.ge [sflag:s21], $0x3200  }
0x21: {  	[sflag:s21] =	ssyncset.done $0x0  }
0x22: {  	[sflag:s21] =	ssyncadd.s32 $0xFFFFCE00  }
0x23: {  	_ =	swait.ge [sflag:s21], $0x3200  }
0x24: {  	[sflag:s21] =	ssyncset.done $0x0  }
0x25: {  	[sflag:s21] =	ssyncadd.s32 $0xFFFFCE00  }
0x26: {  	[hbm4b:s6+s3] =	stream.linear.scatter [tilespmem:s10], [sflag:$0x2], $0x6400, $0x38;
	[tilespmem:$0x1A000] =	vst v63  }
0x27: {  	_ = 	snop  }
0x28: {  	[tilespmem:s23], [sflag:$0x1] =	stream.indirect.gather [hbm4b:s1+s9], $0x80, s22, s9, $0xb8;
	[tilespmem:$0x1A000] =	vst v63  }
0x29: {  	_ = 	snop  }
0x2a: {  	[tilespmem:s25], [sflag:$0x1] =	stream.indirect.gather [hbm4b:s1+s9], $0x80, s24, s9, $0xb8;
	[tilespmem:$0x1A000] =	vst v63  }
0x2b: {  	s14 =	simm.s32 $0x1;
	_ =	swait.ge [sflag:s21], $0x3200  }
0x2c: {  	s0 =	sand.u32 $0x3, s14;
	[sflag:s21] =	ssyncset.done $0x0  }
0x2d: {  	p0 =	por $0x0, $0x0;
	s0 =	smul.u32 $0x19000, s0;
	[sflag:s21] =	ssyncadd.s32 $0xFFFFCE00  }
0x2e: {  	s11 =	simm.s32 @!p0 $0x2;
	s2 =	simm.s32 $0x4;
	_ =	swait.ge [sflag:s21], $0x3200  }
0x2f: {  	s2 =	sand.u32 @!p0 $0x3, s2;
	s0 =	sshrl.u32 s0, $0x2;
	[sflag:s21] =	ssyncset.done $0x0  }
0x30: {  	s29 =	smul.u32 @!p0 $0x19000, s2;
	s0 =	sadd.s32 $0x1000, s0;
	[sflag:s21] =	ssyncadd.s32 $0xFFFFCE00  }
0x31: {  	[hbm4b:s7+s3] =	stream.linear.scatter [tilespmem:s0], [sflag:$0x2], $0x6400, $0x38;
	[tilespmem:$0x1A000] =	vst v63  }
0x32: {  	s31 =	smov.u32 s7;
	s2 =	simm.s32 @!p0 $0x64;
	_ =	swait.ge @!p0 [sflag:s11], $0x6400  }
0x33: {  	s0 =	sshrl.u32 @!p0 s29, $0x2;
	s29 =	simm.s32 @!p0 $0x400;
	[sflag:s11] =	ssyncset.done @!p0 $0x0  }
0x34: {  	s30 =	sadd.s32 @!p0 $0x1000, s0;
	[sflag:s11] =	ssyncadd.s32 @!p0 $0xFFFF9C00;
	s11 =	sadd.s32 @!p0 $0x4200, s0  }
0x35: {  	[tilespmem:s30], [sflag:$0x1] =	stream.indirect.gather @!p0 [hbm4b:s1+s2], $0x80, s29, s2, $0xb8;
	[tilespmem:$0x1A000] =	vst v63  }
0x36: {  	s0 =	simm.s32 $0x480;
	s29 =	simm.s32 $0x480;
	s30 =	simm.s32 $0x5  }
.LBB2_2:
0x37: {  	s29 =	sadd.s32 $0x100, s29  }
0x38: {  	s31 =	sadd.s32 $0xC80, s31;
	s12 =	smov.u32 s30;
	s30 =	sadd.s32 $0x1, s30  }
0x39: {  	[tilespmem:s11], [sflag:$0x1] =	stream.indirect.gather @!p0 [hbm4b:s1+s2], $0x80, s0, s2, $0xb8;
	[tilespmem:$0x1A000] =	vst v63  }
0x3a: {  	s2 =	sadd.s32 $0xFFFFFFFD, s12;
	p1 =	sne.s32 s30, $0x13;
	_ =	swait.ge [sflag:s21], $0x3200  }
0x3b: {  	s0 =	smov.u32 s29;
	s11 =	sand.u32 $0x3, s2;
	[sflag:s21] =	ssyncset.done $0x0  }
0x3c: {  	s11 =	smul.u32 $0x19000, s11;
	[sflag:s21] =	ssyncadd.s32 $0xFFFFCE00  }
0x3d: {  	_ =	swait.ge [sflag:s21], $0x3200  }
0x3e: {  	p0 =	sgt.u32 s2, $0xC;
	s11 =	sshrl.u32 s11, $0x2;
	[sflag:s21] =	ssyncset.done $0x0  }
0x3f: {  	s2 =	sand.u32 @!p0 $0x3, s12;
	s11 =	sadd.s32 $0x1000, s11;
	[sflag:s21] =	ssyncadd.s32 $0xFFFFCE00  }
0x40: {  	s12 =	simm.s32 @!p0 $0x2;
	s13 =	smul.u32 @!p0 $0x19000, s2;
	s2 =	simm.s32 @!p0 $0x64  }
0x41: {  	[hbm4b:s31+s3] =	stream.linear.scatter [tilespmem:s11], [sflag:$0x2], $0x6400, $0x38;
	[tilespmem:$0x1A000] =	vst v63  }
.Ltmp0:
0x42: {  	_ = 	snop;
	(pc) =	sbr.rel @p1 .LBB2_2-.Ltmp0, $4  }
0x43: {  	s11 =	sshrl.u32 @!p0 s13, $0x2;
	s13 =	sadd.s32 @!p0 $0xFFFFFF80, s29;
	_ =	swait.ge @!p0 [sflag:s12], $0x6400  }
0x44: {  	s14 =	sadd.s32 @!p0 $0x1000, s11;
	s11 =	sadd.s32 @!p0 $0x4200, s11;
	[sflag:s12] =	ssyncset.done @!p0 $0x0  }
0x45: {  	[sflag:s12] =	ssyncadd.s32 @!p0 $0xFFFF9C00  }
0x46: {  	[tilespmem:s14], [sflag:$0x1] =	stream.indirect.gather @!p0 [hbm4b:s1+s2], $0x80, s13, s2, $0xb8;
	[tilespmem:$0x1A000] =	vst v63  }
0x47: {  	[tilespmem:s11], [sflag:$0x1] =	stream.indirect.gather @!p0 [hbm4b:s1+s2], $0x80, s0, s2, $0xb8;
	[tilespmem:$0x1A000] =	vst v63  }
0x48: {  	_ =	swait.ge [sflag:s26], $0x6400  }
0x49: {  	[sflag:s26] =	ssyncset.done $0x0  }
0x4a: {  	[sflag:s26] =	ssyncadd.s32 $0xFFFF9C00  }
0x4b: {  	_ =	swait.ge [sflag:s26], $0x6400  }
0x4c: {  	[sflag:s26] =	ssyncset.done $0x0  }
0x4d: {  	s28 =	sadd.s32 $0x1, s28;
	[sflag:s26] =	ssyncadd.s32 $0xFFFF9C00  }
0x4e: {  	p0 =	sne.s32 s28, s5;
	_ =	swait.ge [sflag:s26], $0x6400  }
.Ltmp1:
0x4f: {  	[sflag:s26] =	ssyncset.done $0x0;
	(pc) =	sbr.rel @p0 .LBB2_1-.Ltmp1, $4  }
0x50: {  	[sflag:s26] =	ssyncadd.s32 $0xFFFF9C00  }
0x51: {  	_ =	swait.ge [sflag:s26], $0x6400  }
0x52: {  	[sflag:s26] =	ssyncset.done $0x0  }
0x53: {  	[sflag:s26] =	ssyncadd.s32 $0xFFFF9C00  }
0x54: {  	_ =	sfence.sel $0x180000  }
0x55: {  	[bflag:$0x0] =	sbarrier.arrive $0xFFFF  }
0x56: {  	_ =	strace $0x90000047  }
0x57: {  	s0 =	stileid.u32;
	[bflag:$0x2] =	sbarrier.arrive $0xFFFF  }
0x58: {  	p0 =	sne.s32 s0, $0x0;
	s0 =	rddreg [dreg:$0x3]  }
0x59: {  	s0 =	sadd.s32 @!p0 $0x100000, s0  }
0x5a: {  	[sflag:s0] =	ssyncadd.tile.s32 @!p0 $0x1;
	_ =	shalt  }
.Lfunc_end2:
_tile_overlayer_lowered:
.L_overlay_start_2:
0x5b: {  	(tag) =	ssettag $0x2  }
0x5c: {  	s0 =	rddreg [dreg:$0x0];
	s2 =	stileid.u32  }
0x5d: {  	s1 =	rddreg [dreg:$0x1];
	p0 =	sne.s32 s2, $0x0  }
0x5e: {  	s3 =	rddreg [dreg:$0x2];
	[bflag:$0x3] =	sbarrier.arrive $0xFFFF;
	s2 =	simm.s32 @!p0 $0x1C03  }
0x5f: {  	[timem:s3], [sflag:s2] =	dma.local @!p0 [hbm:s0], s1  }
0x60: {  	s0 =	simm.s32 @!p0 $0x3  }
0x61: {  	_ =	swait.ge @!p0 [sflag:s0], s1  }
0x62: {  	s1 =	ssub.s32 @!p0 $0x0, s1;
	[sflag:s0] =	ssyncset.done @!p0 $0x0  }
0x63: {  	[sflag:s0] =	ssyncadd.s32 @!p0 s1  }
0x64: {  	[bflag:$0x3] =	sbarrier.arrive $0xFFFF  }
0x65: {  	_ =	shalt  }

</sc_bundles>
